<compile_context>
chip_gen: v7x
topology: tpu7x:2x2x1
jax: 0.10.2.dev20260603
libtpu: 0.0.44.dev20260713+nightly
codegen_flags: <defaults>
</compile_context>

<pallas_src>
import functools

import jax
import jax.numpy as jnp
from jax import lax
from jax.experimental import pallas as pl
from jax.experimental.pallas import tpu as pltpu
from jax.experimental.pallas import tpu_sc as plsc

_A = 26
_N = 100000
_B = 4096
_NC = 2
_NS = 16
_L = 16
_ROWS = _B // 128


_LSE_CHUNK = 51200
_LSE_GRID = 2


def _lse_body(x_ref, out_ref, m_ref, s_ref):
    k = pl.program_id(0)

    @pl.when(k == 0)
    def _():
        m_ref[...] = jnp.full((_A, 1), -jnp.inf, jnp.float32)
        s_ref[...] = jnp.zeros((_A, 1), jnp.float32)

    x = x_ref[...]
    col = k * _LSE_CHUNK + jax.lax.broadcasted_iota(jnp.int32, x.shape, 1)
    x = jnp.where(col < _N, x, -jnp.inf)
    bm = jnp.max(x, axis=1, keepdims=True)
    m_old = m_ref[...]
    m_new = jnp.maximum(m_old, bm)
    s_ref[...] = s_ref[...] * jnp.exp(m_old - m_new) + jnp.sum(
        jnp.exp(x - m_new), axis=1, keepdims=True
    )
    m_ref[...] = m_new

    @pl.when(k == _LSE_GRID - 1)
    def _():
        out_ref[0, 0] = jnp.sum(m_new + jnp.log(s_ref[...]))


def _lse_sum(logits):
    return pl.pallas_call(
        _lse_body,
        grid=(_LSE_GRID,),
        in_specs=[pl.BlockSpec((_A, _LSE_CHUNK), lambda k: (0, k))],
        out_shape=jax.ShapeDtypeStruct((1, 1), jnp.float32),
        out_specs=pl.BlockSpec(memory_space=pltpu.SMEM),
        scratch_shapes=[
            pltpu.VMEM((_A, 1), jnp.float32),
            pltpu.VMEM((_A, 1), jnp.float32),
        ],
    )(logits)


@functools.lru_cache(maxsize=1)
def _make_gather_kernel():
    mesh = plsc.VectorSubcoreMesh(core_axis_name="c", subcore_axis_name="s")

    @functools.partial(
        pl.kernel,
        mesh=mesh,
        compiler_params=pltpu.CompilerParams(needs_layout_passes=False),
        out_type=[
            jax.ShapeDtypeStruct((_ROWS, 128), jnp.float32),
            jax.ShapeDtypeStruct((_ROWS, 128), jnp.float32),
        ],
        scratch_types=[
            pltpu.VMEM((_N,), jnp.float32),
            pltpu.VMEM((_B,), jnp.int32),
            pltpu.VMEM((_ROWS, 128), jnp.float32),
            pltpu.VMEM((_ROWS,), jnp.int32),
            pltpu.VMEM_SHARED((_ROWS, 128), jnp.float32),
            pltpu.SemaphoreType.DMA,
        ],
    )
    def k(logits_hbm, vt_hbm, out_a, out_b, row_v, idx_v, part_v, sidx_v, shared,
          sem):
        cid = lax.axis_index("c")
        sid = lax.axis_index("s")
        row = cid * 13 + sid
        active = sid < 13

        sidx_v[pl.ds(0, _L)] = lax.iota(jnp.int32, _L)
        sidx_v[pl.ds(_L, _L)] = lax.iota(jnp.int32, _L) + _L

        @pl.when(active)
        def _():
            cp = pltpu.async_copy(logits_hbm.at[row], row_v, sem)
            pltpu.sync_copy(vt_hbm.at[row], idx_v)
            cp.wait()

            @plsc.parallel_loop(0, _ROWS, step=1, unroll=2)
            def _(r):
                for j in range(8):
                    idx16 = idx_v[pl.ds(r * 128 + j * _L, _L)]
                    g = plsc.load_gather(row_v, [idx16])
                    part_v[r, pl.ds(j * _L, _L)] = g

        @pl.when(sid == 0)
        def _():
            pltpu.sync_copy(part_v, shared)

        plsc.subcore_barrier()

        @pl.when(jnp.logical_and(active, sid != 0))
        def _():
            pltpu.sync_copy(part_v, shared.at[sidx_v], add=True)

        plsc.subcore_barrier()

        @pl.when(jnp.logical_and(sid == 0, cid == 0))
        def _():
            pltpu.sync_copy(shared, out_a)

        @pl.when(jnp.logical_and(sid == 0, cid == 1))
        def _():
            pltpu.sync_copy(shared, out_b)

    return k


def kernel(logits, value):
    pa, pb = _make_gather_kernel()(logits, value.T)
    c = _lse_sum(logits)[0, 0]
    return (pa + pb - c).reshape(_B)

# --- scband reference (transcript-rebuilt; emitter-appended) ---
"""Pipeline reference for scband-learnable-categorical-3032246911409 (READ-ONLY COPY).

The authoritative reference and input builder live on the scoring server;
editing this copy changes nothing except your own understanding.
"""

import jax, jax.numpy as jnp
import numpy as np

A_DIM = 26
N_CLASSES = 100000
BATCH = 4096


def setup_inputs(seed: int = 0) -> dict:
    key = jax.random.key(seed)
    k1, k2 = jax.random.split(key)
    # learned parameter: logits [a_dim, n_classes] (torch inits to zeros; use small randn for a non-degenerate test)
    logits = jax.random.normal(k1, (A_DIM, N_CLASSES), dtype=jnp.float32) * 0.02
    value = jax.random.randint(k2, (BATCH, A_DIM), 0, N_CLASSES, dtype=jnp.int32)
    return {"logits": logits, "value": value}


def reference(logits, value):
    # Independent(Categorical(logits), 1).log_prob(value)
    # Categorical normalizes logits via log_softmax over the class dim;
    # batch_shape of the Categorical is (a_dim,), value broadcasts to [B, a_dim].
    logp = jax.nn.log_softmax(logits, axis=-1)            # [a_dim, n_classes]
    a_idx = jnp.arange(logits.shape[0])[None, :]          # [1, a_dim]
    gathered = logp[a_idx, value]                         # [B, a_dim]; gathered[i,j] = logp[j, value[i,j]]
    # Independent with reinterpreted_batch_ndims=1 sums over the a_dim axis
    return jnp.sum(gathered, axis=-1)                     # [B]

if __name__ == "__main__":
    import jax
    _d = setup_inputs()
    print(jax.jit(kernel)(*tuple(_d.values())))

</pallas_src>

<mosaic_0001>
#map = affine_map<(d0, d1) -> (0, 0)>
module attributes {stable_mosaic.version = 14 : i64} {
  func.func @k(%arg0: i32, %arg1: i32, %arg2: memref<26x100000xf32, #tpu.memory_space<hbm>>, %arg3: memref<26x4096xi32, #tpu.memory_space<hbm>>, %arg4: memref<32x128xf32, #tpu.memory_space<hbm>>, %arg5: memref<32x128xf32, #tpu.memory_space<hbm>>, %arg6: memref<100000xf32, #tpu.memory_space<vmem>>, %arg7: memref<4096xi32, #tpu.memory_space<vmem>>, %arg8: memref<32x128xf32, #tpu.memory_space<vmem>>, %arg9: memref<32xi32, #tpu.memory_space<vmem>>, %arg10: memref<32x128xf32, #tpu.memory_space<vmem_shared>>, %arg11: memref<!tpu.dma_semaphore, #tpu.memory_space<semaphore_mem>>) attributes {dimension_semantics = [#tpu.dimension_semantics<core_parallel>, #tpu.dimension_semantics<subcore_parallel>], iteration_bounds = array<i64: 2, 16>, scalar_prefetch = 0 : i64, scratch_operands = 6 : i64, tpu.core_type = #tpu.core_type<sc_vector_subcore>, window_params = [{transform_indices = #map}, {transform_indices = #map}, {transform_indices = #map}, {transform_indices = #map}]} {
    %mul3A = arith.constant 13 : i32
    %mul3A_0 = arith.muli %arg0, %mul3A : i32
    %add3A = arith.addi %mul3A_0, %arg1 : i32
    %lt3A = arith.constant 13 : i32
    %lt3A_1 = arith.cmpi slt, %arg1, %lt3A : i32
    %iota3A = tpu.iota {dimensions = array<i32: 0>} : vector<16xi32>
    %swap3A = arith.constant 0 : index
    %swap3A_2 = tpu.vector_load %arg9[%swap3A] {strides = array<i32>} : memref<32xi32, #tpu.memory_space<vmem>>, vector<16xi32>,
    tpu.vector_store %arg9[%swap3A], %iota3A {strides = array<i32>} : memref<32xi32, #tpu.memory_space<vmem>>, vector<16xi32>,
    %iota3A_3 = tpu.iota {dimensions = array<i32: 0>} : vector<16xi32>
    %add3A_4 = arith.constant 16 : i32
    %add3A_5 = vector.broadcast %add3A_4 : i32 to vector<16xi32>
    %add3A_6 = arith.addi %iota3A_3, %add3A_5 : vector<16xi32>
    %swap3A_7 = arith.constant 16 : index
    %swap3A_8 = tpu.vector_load %arg9[%swap3A_7] {strides = array<i32>} : memref<32xi32, #tpu.memory_space<vmem>>, vector<16xi32>,
    tpu.vector_store %arg9[%swap3A_7], %add3A_6 {strides = array<i32>} : memref<32xi32, #tpu.memory_space<vmem>>, vector<16xi32>,
    %convert_element_type3A = arith.extui %lt3A_1 : i1 to i32
    %cond3A = arith.constant 0 : i32
    %cond3A_9 = arith.cmpi ne, %convert_element_type3A, %cond3A : i32
    scf.if %cond3A_9 {
      %dma_start3A = arith.constant 0 : i32
      %dma_start3A_35 = tpu.memref_slice %arg2[%add3A, %dma_start3A] : memref<26x100000xf32, #tpu.memory_space<hbm>> -> memref<1x100000xf32, #tpu.memory_space<hbm>>
      %dma_start3A_36 = tpu.memref_squeeze %dma_start3A_35 : memref<1x100000xf32, #tpu.memory_space<hbm>> -> memref<100000xf32, #tpu.memory_space<hbm>>
      %dma_start3A_37 = arith.constant 0 : i32
      %dma_start3A_38 = tpu.memref_slice %arg2[%add3A, %dma_start3A_37] : memref<26x100000xf32, #tpu.memory_space<hbm>> -> memref<1x100000xf32, #tpu.memory_space<hbm>>
      %dma_start3A_39 = tpu.memref_squeeze %dma_start3A_38 : memref<1x100000xf32, #tpu.memory_space<hbm>> -> memref<100000xf32, #tpu.memory_space<hbm>>
      tpu.enqueue_dma source(%dma_start3A_39 : memref<100000xf32, #tpu.memory_space<hbm>>) target(%arg6 : memref<100000xf32, #tpu.memory_space<vmem>>) target_semaphore(%arg11 : memref<!tpu.dma_semaphore, #tpu.memory_space<semaphore_mem>>)
      "tpu.region"() ({
        %run_scoped3A = tpu.sem_alloc : memref<!tpu.dma_semaphore, #tpu.memory_space<semaphore_mem>>
        %dma_start3A_47 = arith.constant 0 : i32
        %dma_start3A_48 = tpu.memref_slice %arg3[%add3A, %dma_start3A_47] : memref<26x4096xi32, #tpu.memory_space<hbm>> -> memref<1x4096xi32, #tpu.memory_space<hbm>>
        %dma_start3A_49 = tpu.memref_squeeze %dma_start3A_48 : memref<1x4096xi32, #tpu.memory_space<hbm>> -> memref<4096xi32, #tpu.memory_space<hbm>>
        %dma_start3A_50 = arith.constant 0 : i32
        %dma_start3A_51 = tpu.memref_slice %arg3[%add3A, %dma_start3A_50] : memref<26x4096xi32, #tpu.memory_space<hbm>> -> memref<1x4096xi32, #tpu.memory_space<hbm>>
        %dma_start3A_52 = tpu.memref_squeeze %dma_start3A_51 : memref<1x4096xi32, #tpu.memory_space<hbm>> -> memref<4096xi32, #tpu.memory_space<hbm>>
        tpu.enqueue_dma source(%dma_start3A_52 : memref<4096xi32, #tpu.memory_space<hbm>>) target(%arg7 : memref<4096xi32, #tpu.memory_space<vmem>>) target_semaphore(%run_scoped3A : memref<!tpu.dma_semaphore, #tpu.memory_space<semaphore_mem>>)
        %dma_wait3A_53 = arith.constant 0 : i32
        %dma_wait3A_54 = tpu.memref_slice %arg3[%add3A, %dma_wait3A_53] : memref<26x4096xi32, #tpu.memory_space<hbm>> -> memref<1x4096xi32, #tpu.memory_space<hbm>>
        %dma_wait3A_55 = tpu.memref_squeeze %dma_wait3A_54 : memref<1x4096xi32, #tpu.memory_space<hbm>> -> memref<4096xi32, #tpu.memory_space<hbm>>
        %dma_wait3A_56 = arith.constant 0 : i32
        %dma_wait3A_57 = tpu.memref_slice %arg3[%add3A, %dma_wait3A_56] : memref<26x4096xi32, #tpu.memory_space<hbm>> -> memref<1x4096xi32, #tpu.memory_space<hbm>>
        %dma_wait3A_58 = tpu.memref_squeeze %dma_wait3A_57 : memref<1x4096xi32, #tpu.memory_space<hbm>> -> memref<4096xi32, #tpu.memory_space<hbm>>
        tpu.wait_dma2 semaphore(%run_scoped3A : memref<!tpu.dma_semaphore, #tpu.memory_space<semaphore_mem>>) src(%dma_wait3A_58 : memref<4096xi32, #tpu.memory_space<hbm>>) dst(%arg7 : memref<4096xi32, #tpu.memory_space<vmem>>)
        tpu.yield
      }) : () -> ()
      %dma_wait3A = arith.constant 0 : i32
      %dma_wait3A_40 = tpu.memref_slice %arg2[%add3A, %dma_wait3A] : memref<26x100000xf32, #tpu.memory_space<hbm>> -> memref<1x100000xf32, #tpu.memory_space<hbm>>
      %dma_wait3A_41 = tpu.memref_squeeze %dma_wait3A_40 : memref<1x100000xf32, #tpu.memory_space<hbm>> -> memref<100000xf32, #tpu.memory_space<hbm>>
      %dma_wait3A_42 = arith.constant 0 : i32
      %dma_wait3A_43 = tpu.memref_slice %arg2[%add3A, %dma_wait3A_42] : memref<26x100000xf32, #tpu.memory_space<hbm>> -> memref<1x100000xf32, #tpu.memory_space<hbm>>
      %dma_wait3A_44 = tpu.memref_squeeze %dma_wait3A_43 : memref<1x100000xf32, #tpu.memory_space<hbm>> -> memref<100000xf32, #tpu.memory_space<hbm>>
      tpu.wait_dma2 semaphore(%arg11 : memref<!tpu.dma_semaphore, #tpu.memory_space<semaphore_mem>>) src(%dma_wait3A_44 : memref<100000xf32, #tpu.memory_space<hbm>>) dst(%arg6 : memref<100000xf32, #tpu.memory_space<vmem>>)
      %parallel_loop3A = arith.constant 0 : i32
      %parallel_loop3A_45 = arith.constant 32 : i32
      %parallel_loop3A_46 = arith.constant 1 : i32
      scf.for %parallel_loop3A_47 = %parallel_loop3A to %parallel_loop3A_45 step %parallel_loop3A_46  : i32 {
        %parallel_loop3A_48 = arith.constant 128 : i32
        %parallel_loop3A_49 = arith.muli %parallel_loop3A_47, %parallel_loop3A_48 : i32
        %parallel_loop3A_50 = arith.constant 0 : i32
        %parallel_loop3A_51 = arith.addi %parallel_loop3A_49, %parallel_loop3A_50 : i32
        %parallel_loop3A_52 = arith.index_cast %parallel_loop3A_51 : i32 to index
        %parallel_loop3A_53 = tpu.vector_load %arg7[%parallel_loop3A_52] {strides = array<i32>} : memref<4096xi32, #tpu.memory_space<vmem>>, vector<16xi32>,
        %parallel_loop3A_54 = tpu.vector_load_idx %arg6[%parallel_loop3A_53] : memref<100000xf32, #tpu.memory_space<vmem>>[vector<16xi32>], vector<16xf32>,
        %parallel_loop3A_55 = arith.index_cast %parallel_loop3A_47 : i32 to index
        %parallel_loop3A_56 = arith.constant 0 : index
        %parallel_loop3A_57 = tpu.vector_load %arg8[%parallel_loop3A_55, %parallel_loop3A_56] {strides = array<i32>} : memref<32x128xf32, #tpu.memory_space<vmem>>, vector<16xf32>,
        tpu.vector_store %arg8[%parallel_loop3A_55, %parallel_loop3A_56], %parallel_loop3A_54 {strides = array<i32>} : memref<32x128xf32, #tpu.memory_space<vmem>>, vector<16xf32>,
        %parallel_loop3A_58 = arith.constant 128 : i32
        %parallel_loop3A_59 = arith.muli %parallel_loop3A_47, %parallel_loop3A_58 : i32
        %parallel_loop3A_60 = arith.constant 16 : i32
        %parallel_loop3A_61 = arith.addi %parallel_loop3A_59, %parallel_loop3A_60 : i32
        %parallel_loop3A_62 = arith.index_cast %parallel_loop3A_61 : i32 to index
        %parallel_loop3A_63 = tpu.vector_load %arg7[%parallel_loop3A_62] {strides = array<i32>} : memref<4096xi32, #tpu.memory_space<vmem>>, vector<16xi32>,
        %parallel_loop3A_64 = tpu.vector_load_idx %arg6[%parallel_loop3A_63] : memref<100000xf32, #tpu.memory_space<vmem>>[vector<16xi32>], vector<16xf32>,
        %parallel_loop3A_65 = arith.index_cast %parallel_loop3A_47 : i32 to index
        %parallel_loop3A_66 = arith.constant 16 : index
        %parallel_loop3A_67 = tpu.vector_load %arg8[%parallel_loop3A_65, %parallel_loop3A_66] {strides = array<i32>} : memref<32x128xf32, #tpu.memory_space<vmem>>, vector<16xf32>,
        tpu.vector_store %arg8[%parallel_loop3A_65, %parallel_loop3A_66], %parallel_loop3A_64 {strides = array<i32>} : memref<32x128xf32, #tpu.memory_space<vmem>>, vector<16xf32>,
        %parallel_loop3A_68 = arith.constant 128 : i32
        %parallel_loop3A_69 = arith.muli %parallel_loop3A_47, %parallel_loop3A_68 : i32
        %parallel_loop3A_70 = arith.constant 32 : i32
        %parallel_loop3A_71 = arith.addi %parallel_loop3A_69, %parallel_loop3A_70 : i32
        %parallel_loop3A_72 = arith.index_cast %parallel_loop3A_71 : i32 to index
        %parallel_loop3A_73 = tpu.vector_load %arg7[%parallel_loop3A_72] {strides = array<i32>} : memref<4096xi32, #tpu.memory_space<vmem>>, vector<16xi32>,
        %parallel_loop3A_74 = tpu.vector_load_idx %arg6[%parallel_loop3A_73] : memref<100000xf32, #tpu.memory_space<vmem>>[vector<16xi32>], vector<16xf32>,
        %parallel_loop3A_75 = arith.index_cast %parallel_loop3A_47 : i32 to index
        %parallel_loop3A_76 = arith.constant 32 : index
        %parallel_loop3A_77 = tpu.vector_load %arg8[%parallel_loop3A_75, %parallel_loop3A_76] {strides = array<i32>} : memref<32x128xf32, #tpu.memory_space<vmem>>, vector<16xf32>,
        tpu.vector_store %arg8[%parallel_loop3A_75, %parallel_loop3A_76], %parallel_loop3A_74 {strides = array<i32>} : memref<32x128xf32, #tpu.memory_space<vmem>>, vector<16xf32>,
        %parallel_loop3A_78 = arith.constant 128 : i32
        %parallel_loop3A_79 = arith.muli %parallel_loop3A_47, %parallel_loop3A_78 : i32
        %parallel_loop3A_80 = arith.constant 48 : i32
        %parallel_loop3A_81 = arith.addi %parallel_loop3A_79, %parallel_loop3A_80 : i32
        %parallel_loop3A_82 = arith.index_cast %parallel_loop3A_81 : i32 to index
        %parallel_loop3A_83 = tpu.vector_load %arg7[%parallel_loop3A_82] {strides = array<i32>} : memref<4096xi32, #tpu.memory_space<vmem>>, vector<16xi32>,
        %parallel_loop3A_84 = tpu.vector_load_idx %arg6[%parallel_loop3A_83] : memref<100000xf32, #tpu.memory_space<vmem>>[vector<16xi32>], vector<16xf32>,
        %parallel_loop3A_85 = arith.index_cast %parallel_loop3A_47 : i32 to index
        %parallel_loop3A_86 = arith.constant 48 : index
        %parallel_loop3A_87 = tpu.vector_load %arg8[%parallel_loop3A_85, %parallel_loop3A_86] {strides = array<i32>} : memref<32x128xf32, #tpu.memory_space<vmem>>, vector<16xf32>,
        tpu.vector_store %arg8[%parallel_loop3A_85, %parallel_loop3A_86], %parallel_loop3A_84 {strides = array<i32>} : memref<32x128xf32, #tpu.memory_space<vmem>>, vector<16xf32>,
        %parallel_loop3A_88 = arith.constant 128 : i32
        %parallel_loop3A_89 = arith.muli %parallel_loop3A_47, %parallel_loop3A_88 : i32
        %parallel_loop3A_90 = arith.constant 64 : i32
        %parallel_loop3A_91 = arith.addi %parallel_loop3A_89, %parallel_loop3A_90 : i32
        %parallel_loop3A_92 = arith.index_cast %parallel_loop3A_91 : i32 to index
        %parallel_loop3A_93 = tpu.vector_load %arg7[%parallel_loop3A_92] {strides = array<i32>} : memref<4096xi32, #tpu.memory_space<vmem>>, vector<16xi32>,
        %parallel_loop3A_94 = tpu.vector_load_idx %arg6[%parallel_loop3A_93] : memref<100000xf32, #tpu.memory_space<vmem>>[vector<16xi32>], vector<16xf32>,
        %parallel_loop3A_95 = arith.index_cast %parallel_loop3A_47 : i32 to index
        %parallel_loop3A_96 = arith.constant 64 : index
        %parallel_loop3A_97 = tpu.vector_load %arg8[%parallel_loop3A_95, %parallel_loop3A_96] {strides = array<i32>} : memref<32x128xf32, #tpu.memory_space<vmem>>, vector<16xf32>,
        tpu.vector_store %arg8[%parallel_loop3A_95, %parallel_loop3A_96], %parallel_loop3A_94 {strides = array<i32>} : memref<32x128xf32, #tpu.memory_space<vmem>>, vector<16xf32>,
        %parallel_loop3A_98 = arith.constant 128 : i32
        %parallel_loop3A_99 = arith.muli %parallel_loop3A_47, %parallel_loop3A_98 : i32
        %parallel_loop3A_100 = arith.constant 80 : i32
        %parallel_loop3A_101 = arith.addi %parallel_loop3A_99, %parallel_loop3A_100 : i32
        %parallel_loop3A_102 = arith.index_cast %parallel_loop3A_101 : i32 to index
        %parallel_loop3A_103 = tpu.vector_load %arg7[%parallel_loop3A_102] {strides = array<i32>} : memref<4096xi32, #tpu.memory_space<vmem>>, vector<16xi32>,
        %parallel_loop3A_104 = tpu.vector_load_idx %arg6[%parallel_loop3A_103] : memref<100000xf32, #tpu.memory_space<vmem>>[vector<16xi32>], vector<16xf32>,
        %parallel_loop3A_105 = arith.index_cast %parallel_loop3A_47 : i32 to index
        %parallel_loop3A_106 = arith.constant 80 : index
        %parallel_loop3A_107 = tpu.vector_load %arg8[%parallel_loop3A_105, %parallel_loop3A_106] {strides = array<i32>} : memref<32x128xf32, #tpu.memory_space<vmem>>, vector<16xf32>,
        tpu.vector_store %arg8[%parallel_loop3A_105, %parallel_loop3A_106], %parallel_loop3A_104 {strides = array<i32>} : memref<32x128xf32, #tpu.memory_space<vmem>>, vector<16xf32>,
        %parallel_loop3A_108 = arith.constant 128 : i32
        %parallel_loop3A_109 = arith.muli %parallel_loop3A_47, %parallel_loop3A_108 : i32
        %parallel_loop3A_110 = arith.constant 96 : i32
        %parallel_loop3A_111 = arith.addi %parallel_loop3A_109, %parallel_loop3A_110 : i32
        %parallel_loop3A_112 = arith.index_cast %parallel_loop3A_111 : i32 to index
        %parallel_loop3A_113 = tpu.vector_load %arg7[%parallel_loop3A_112] {strides = array<i32>} : memref<4096xi32, #tpu.memory_space<vmem>>, vector<16xi32>,
        %parallel_loop3A_114 = tpu.vector_load_idx %arg6[%parallel_loop3A_113] : memref<100000xf32, #tpu.memory_space<vmem>>[vector<16xi32>], vector<16xf32>,
        %parallel_loop3A_115 = arith.index_cast %parallel_loop3A_47 : i32 to index
        %parallel_loop3A_116 = arith.constant 96 : index
        %parallel_loop3A_117 = tpu.vector_load %arg8[%parallel_loop3A_115, %parallel_loop3A_116] {strides = array<i32>} : memref<32x128xf32, #tpu.memory_space<vmem>>, vector<16xf32>,
        tpu.vector_store %arg8[%parallel_loop3A_115, %parallel_loop3A_116], %parallel_loop3A_114 {strides = array<i32>} : memref<32x128xf32, #tpu.memory_space<vmem>>, vector<16xf32>,
        %parallel_loop3A_118 = arith.constant 128 : i32
        %parallel_loop3A_119 = arith.muli %parallel_loop3A_47, %parallel_loop3A_118 : i32
        %parallel_loop3A_120 = arith.constant 112 : i32
        %parallel_loop3A_121 = arith.addi %parallel_loop3A_119, %parallel_loop3A_120 : i32
        %parallel_loop3A_122 = arith.index_cast %parallel_loop3A_121 : i32 to index
        %parallel_loop3A_123 = tpu.vector_load %arg7[%parallel_loop3A_122] {strides = array<i32>} : memref<4096xi32, #tpu.memory_space<vmem>>, vector<16xi32>,
        %parallel_loop3A_124 = tpu.vector_load_idx %arg6[%parallel_loop3A_123] : memref<100000xf32, #tpu.memory_space<vmem>>[vector<16xi32>], vector<16xf32>,
        %parallel_loop3A_125 = arith.index_cast %parallel_loop3A_47 : i32 to index
        %parallel_loop3A_126 = arith.constant 112 : index
        %parallel_loop3A_127 = tpu.vector_load %arg8[%parallel_loop3A_125, %parallel_loop3A_126] {strides = array<i32>} : memref<32x128xf32, #tpu.memory_space<vmem>>, vector<16xf32>,
        tpu.vector_store %arg8[%parallel_loop3A_125, %parallel_loop3A_126], %parallel_loop3A_124 {strides = array<i32>} : memref<32x128xf32, #tpu.memory_space<vmem>>, vector<16xf32>,
      } {sc.loop_unroll_factor = 2 : i64, sc.parallel_access}
    } else {
    }
    %eq3A = arith.constant 0 : i32
    %eq3A_10 = arith.cmpi eq, %arg1, %eq3A : i32
    %convert_element_type3A_11 = arith.extui %eq3A_10 : i1 to i32
    %cond3A_12 = arith.constant 0 : i32
    %cond3A_13 = arith.cmpi ne, %convert_element_type3A_11, %cond3A_12 : i32
    scf.if %cond3A_13 {
      "tpu.region"() ({
        %run_scoped3A = tpu.sem_alloc : memref<!tpu.dma_semaphore, #tpu.memory_space<semaphore_mem>>
        tpu.enqueue_dma source(%arg8 : memref<32x128xf32, #tpu.memory_space<vmem>>) target(%arg10 : memref<32x128xf32, #tpu.memory_space<vmem_shared>>) target_semaphore(%run_scoped3A : memref<!tpu.dma_semaphore, #tpu.memory_space<semaphore_mem>>)
        tpu.wait_dma2 semaphore(%run_scoped3A : memref<!tpu.dma_semaphore, #tpu.memory_space<semaphore_mem>>) src(%arg8 : memref<32x128xf32, #tpu.memory_space<vmem>>) dst(%arg10 : memref<32x128xf32, #tpu.memory_space<vmem_shared>>)
        tpu.yield
      }) : () -> ()
    } else {
    }
    %barrier3A = arith.constant 0 : index
    tpu.barrier barrier_id(%barrier3A)
    %ne3A = arith.constant 0 : i32
    %ne3A_14 = arith.cmpi ne, %arg1, %ne3A : i32
    %and3A = arith.andi %lt3A_1, %ne3A_14 : i1
    %convert_element_type3A_15 = arith.extui %and3A : i1 to i32
    %cond3A_16 = arith.constant 0 : i32
    %cond3A_17 = arith.cmpi ne, %convert_element_type3A_15, %cond3A_16 : i32
    scf.if %cond3A_17 {
      "tpu.region"() ({
        %run_scoped3A = tpu.sem_alloc : memref<!tpu.dma_semaphore, #tpu.memory_space<semaphore_mem>>
        %dma_start3A = arith.constant 0 : i32
        %dma_start3A_35 = arith.constant 0 : i32
        %dma_start3A_36 = tpu.memref_slice %arg10[%dma_start3A, %dma_start3A_35] : memref<32x128xf32, #tpu.memory_space<vmem_shared>> -> memref<32x128xf32, #tpu.memory_space<vmem_shared>>
        tpu.enqueue_indirect_dma source(%arg8 : memref<32x128xf32, #tpu.memory_space<vmem>>) target(%dma_start3A_36 : memref<32x128xf32, #tpu.memory_space<vmem_shared>>) offsets(%arg9 : memref<32xi32, #tpu.memory_space<vmem>>) semaphore(%run_scoped3A : memref<!tpu.dma_semaphore, #tpu.memory_space<semaphore_mem>>) {add = true}
        %dma_wait3A = arith.constant 0 : i32
        %dma_wait3A_37 = arith.constant 0 : i32
        %dma_wait3A_38 = tpu.memref_slice %arg10[%dma_wait3A, %dma_wait3A_37] : memref<32x128xf32, #tpu.memory_space<vmem_shared>> -> memref<32x128xf32, #tpu.memory_space<vmem_shared>>
        tpu.wait_indirect_dma semaphore(%run_scoped3A : memref<!tpu.dma_semaphore, #tpu.memory_space<semaphore_mem>>) src(%arg8 : memref<32x128xf32, #tpu.memory_space<vmem>>) dst(%dma_wait3A_38 : memref<32x128xf32, #tpu.memory_space<vmem_shared>>)
        tpu.yield
      }) : () -> ()
    } else {
    }
    %barrier3A_18 = arith.constant 0 : index
    tpu.barrier barrier_id(%barrier3A_18)
    %eq3A_19 = arith.constant 0 : i32
    %eq3A_20 = arith.cmpi eq, %arg1, %eq3A_19 : i32
    %eq3A_21 = arith.constant 0 : i32
    %eq3A_22 = arith.cmpi eq, %arg0, %eq3A_21 : i32
    %and3A_23 = arith.andi %eq3A_20, %eq3A_22 : i1
    %convert_element_type3A_24 = arith.extui %and3A_23 : i1 to i32
    %cond3A_25 = arith.constant 0 : i32
    %cond3A_26 = arith.cmpi ne, %convert_element_type3A_24, %cond3A_25 : i32
    scf.if %cond3A_26 {
      "tpu.region"() ({
        %run_scoped3A = tpu.sem_alloc : memref<!tpu.dma_semaphore, #tpu.memory_space<semaphore_mem>>
        tpu.enqueue_dma source(%arg10 : memref<32x128xf32, #tpu.memory_space<vmem_shared>>) target(%arg4 : memref<32x128xf32, #tpu.memory_space<hbm>>) target_semaphore(%run_scoped3A : memref<!tpu.dma_semaphore, #tpu.memory_space<semaphore_mem>>)
        tpu.wait_dma2 semaphore(%run_scoped3A : memref<!tpu.dma_semaphore, #tpu.memory_space<semaphore_mem>>) src(%arg10 : memref<32x128xf32, #tpu.memory_space<vmem_shared>>) dst(%arg4 : memref<32x128xf32, #tpu.memory_space<hbm>>)
        tpu.yield
      }) : () -> ()
    } else {
    }
    %eq3A_27 = arith.constant 0 : i32
    %eq3A_28 = arith.cmpi eq, %arg1, %eq3A_27 : i32
    %eq3A_29 = arith.constant 1 : i32
    %eq3A_30 = arith.cmpi eq, %arg0, %eq3A_29 : i32
    %and3A_31 = arith.andi %eq3A_28, %eq3A_30 : i1
    %convert_element_type3A_32 = arith.extui %and3A_31 : i1 to i32
    %cond3A_33 = arith.constant 0 : i32
    %cond3A_34 = arith.cmpi ne, %convert_element_type3A_32, %cond3A_33 : i32
    scf.if %cond3A_34 {
      "tpu.region"() ({
        %run_scoped3A = tpu.sem_alloc : memref<!tpu.dma_semaphore, #tpu.memory_space<semaphore_mem>>
        tpu.enqueue_dma source(%arg10 : memref<32x128xf32, #tpu.memory_space<vmem_shared>>) target(%arg5 : memref<32x128xf32, #tpu.memory_space<hbm>>) target_semaphore(%run_scoped3A : memref<!tpu.dma_semaphore, #tpu.memory_space<semaphore_mem>>)
        tpu.wait_dma2 semaphore(%run_scoped3A : memref<!tpu.dma_semaphore, #tpu.memory_space<semaphore_mem>>) src(%arg10 : memref<32x128xf32, #tpu.memory_space<vmem_shared>>) dst(%arg5 : memref<32x128xf32, #tpu.memory_space<hbm>>)
        tpu.yield
      }) : () -> ()
    } else {
    }
    return
  }
}

module attributes {stable_mosaic.version = 14 : i64} {
  func.func @_lse_body(%arg0: i32, %arg1: memref<26x51200xf32, #tpu.memory_space<vmem>>, %arg2: memref<1x1xf32, #tpu.memory_space<smem>>, %arg3: memref<26x1xf32, #tpu.memory_space<vmem>>, %arg4: memref<26x1xf32, #tpu.memory_space<vmem>>) attributes {dimension_semantics = [#tpu.dimension_semantics<arbitrary>], iteration_bounds = array<i64: 2>, scalar_prefetch = 0 : i64, scratch_operands = 2 : i64, tpu.core_type = #tpu.core_type<tc>, window_params = [{transform_indices = @transform_0, window_bounds = array<i64: 26, 51200>}, {transform_indices = @transform_1, window_bounds = array<i64: 1, 1>}]} {
    %eq3A = arith.constant 0 : i32
    %eq3A_0 = arith.cmpi eq, %arg0, %eq3A : i32
    %convert_element_type3A = arith.extui %eq3A_0 : i1 to i32
    %cond3A = arith.constant 0 : i32
    %cond3A_1 = arith.cmpi ne, %convert_element_type3A, %cond3A : i32
    scf.if %cond3A_1 {
      %broadcast_in_dim3A_33 = arith.constant 0xFF800000 : f32
      %broadcast_in_dim3A_34 = vector.broadcast %broadcast_in_dim3A_33 : f32 to vector<26x1xf32>
      %swap3A_35 = arith.constant 0 : index
      %swap3A_36 = arith.constant 0 : index
      %swap3A_37 = vector.load %arg3[%swap3A_35, %swap3A_36] : memref<26x1xf32, #tpu.memory_space<vmem>>, vector<26x1xf32>
      tpu.vector_store %arg3[%swap3A_35, %swap3A_36], %broadcast_in_dim3A_34 {strides = array<i32>} : memref<26x1xf32, #tpu.memory_space<vmem>>, vector<26x1xf32>,
      %broadcast_in_dim3A_38 = arith.constant 0.000000e+00 : f32
      %broadcast_in_dim3A_39 = vector.broadcast %broadcast_in_dim3A_38 : f32 to vector<26x1xf32>
      %swap3A_40 = arith.constant 0 : index
      %swap3A_41 = arith.constant 0 : index
      %swap3A_42 = vector.load %arg4[%swap3A_40, %swap3A_41] : memref<26x1xf32, #tpu.memory_space<vmem>>, vector<26x1xf32>
      tpu.vector_store %arg4[%swap3A_40, %swap3A_41], %broadcast_in_dim3A_39 {strides = array<i32>} : memref<26x1xf32, #tpu.memory_space<vmem>>, vector<26x1xf32>,
    } else {
    }
    %get3A = arith.constant 0 : index
    %get3A_2 = arith.constant 0 : index
    %get3A_3 = vector.load %arg1[%get3A, %get3A_2] : memref<26x51200xf32, #tpu.memory_space<vmem>>, vector<26x51200xf32>
    %mul3A = arith.constant 51200 : i32
    %mul3A_4 = arith.muli %arg0, %mul3A : i32
    %iota3A = tpu.iota {dimensions = array<i32: 1>} : vector<26x51200xi32>
    %add3A = vector.broadcast %mul3A_4 : i32 to vector<26x51200xi32>
    %add3A_5 = arith.addi %add3A, %iota3A : vector<26x51200xi32>
    %lt3A = arith.constant 100000 : i32
    %lt3A_6 = vector.broadcast %lt3A : i32 to vector<26x51200xi32>
    %lt3A_7 = arith.cmpi slt, %add3A_5, %lt3A_6 : vector<26x51200xi32>
    %jit3A = arith.constant 0xFF800000 : f32
    %broadcast_in_dim3A = vector.broadcast %jit3A : f32 to vector<26x51200xf32>
    %select_n3A = arith.select %lt3A_7, %get3A_3, %broadcast_in_dim3A : vector<26x51200xi1>, vector<26x51200xf32>
    %reduce_max3A = arith.constant dense<0xFF800000> : vector<26xf32>
    %reduce_max3A_8 = vector.multi_reduction <maximumf>, %select_n3A, %reduce_max3A [1] : vector<26x51200xf32> to vector<26xf32>
    %broadcast_in_dim3A_9 = vector.shape_cast %reduce_max3A_8 : vector<26xf32> to vector<26x1xf32>
    %get3A_10 = arith.constant 0 : index
    %get3A_11 = arith.constant 0 : index
    %get3A_12 = vector.load %arg3[%get3A_10, %get3A_11] : memref<26x1xf32, #tpu.memory_space<vmem>>, vector<26x1xf32>
    %max3A = arith.maximumf %get3A_12, %broadcast_in_dim3A_9 : vector<26x1xf32>
    %get3A_13 = arith.constant 0 : index
    %get3A_14 = arith.constant 0 : index
    %get3A_15 = vector.load %arg4[%get3A_13, %get3A_14] : memref<26x1xf32, #tpu.memory_space<vmem>>, vector<26x1xf32>
    %sub3A = arith.subf %get3A_12, %max3A : vector<26x1xf32>
    %exp3A = math.exp %sub3A : vector<26x1xf32>
    %mul3A_16 = arith.mulf %get3A_15, %exp3A : vector<26x1xf32>
    %sub3A_17 = vector.broadcast %max3A : vector<26x1xf32> to vector<26x51200xf32>
    %sub3A_18 = arith.subf %select_n3A, %sub3A_17 : vector<26x51200xf32>
    %exp3A_19 = math.exp %sub3A_18 : vector<26x51200xf32>
    %reduce_sum3A = arith.constant dense<0.000000e+00> : vector<26xf32>
    %reduce_sum3A_20 = vector.multi_reduction <add>, %exp3A_19, %reduce_sum3A [1] : vector<26x51200xf32> to vector<26xf32>
    %broadcast_in_dim3A_21 = vector.shape_cast %reduce_sum3A_20 : vector<26xf32> to vector<26x1xf32>
    %add3A_22 = arith.addf %mul3A_16, %broadcast_in_dim3A_21 : vector<26x1xf32>
    %swap3A = arith.constant 0 : index
    %swap3A_23 = arith.constant 0 : index
    %swap3A_24 = vector.load %arg4[%swap3A, %swap3A_23] : memref<26x1xf32, #tpu.memory_space<vmem>>, vector<26x1xf32>
    tpu.vector_store %arg4[%swap3A, %swap3A_23], %add3A_22 {strides = array<i32>} : memref<26x1xf32, #tpu.memory_space<vmem>>, vector<26x1xf32>,
    %swap3A_25 = arith.constant 0 : index
    %swap3A_26 = arith.constant 0 : index
    %swap3A_27 = vector.load %arg3[%swap3A_25, %swap3A_26] : memref<26x1xf32, #tpu.memory_space<vmem>>, vector<26x1xf32>
    tpu.vector_store %arg3[%swap3A_25, %swap3A_26], %max3A {strides = array<i32>} : memref<26x1xf32, #tpu.memory_space<vmem>>, vector<26x1xf32>,
    %eq3A_28 = arith.constant 1 : i32
    %eq3A_29 = arith.cmpi eq, %arg0, %eq3A_28 : i32
    %convert_element_type3A_30 = arith.extui %eq3A_29 : i1 to i32
    %cond3A_31 = arith.constant 0 : i32
    %cond3A_32 = arith.cmpi ne, %convert_element_type3A_30, %cond3A_31 : i32
    scf.if %cond3A_32 {
      %get3A_33 = arith.constant 0 : index
      %get3A_34 = arith.constant 0 : index
      %get3A_35 = vector.load %arg4[%get3A_33, %get3A_34] : memref<26x1xf32, #tpu.memory_space<vmem>>, vector<26x1xf32>
      %log3A = math.log %get3A_35 : vector<26x1xf32>
      %add3A_36 = arith.addf %max3A, %log3A : vector<26x1xf32>
      %reduce_sum3A_37 = vector.shape_cast %add3A_36 : vector<26x1xf32> to vector<1x26x1xf32>
      %reduce_sum3A_38 = arith.constant dense<0.000000e+00> : vector<1xf32>
      %reduce_sum3A_39 = vector.multi_reduction <add>, %reduce_sum3A_37, %reduce_sum3A_38 [1, 2] : vector<1x26x1xf32> to vector<1xf32>
      %reduce_sum3A_40 = vector.shape_cast %reduce_sum3A_39 : vector<1xf32> to vector<1x1x1xf32>
      %reduce_sum3A_41 = vector.extract %reduce_sum3A_40[0, 0, 0] : f32 from vector<1x1x1xf32>
      %swap3A_42 = arith.constant 0 : index
      %swap3A_43 = arith.constant 0 : index
      %swap3A_44 = memref.load %arg2[%swap3A_42, %swap3A_43] : memref<1x1xf32, #tpu.memory_space<smem>>
      memref.store %reduce_sum3A_41, %arg2[%swap3A_42, %swap3A_43] : memref<1x1xf32, #tpu.memory_space<smem>>
    } else {
    }
    return
  }
  func.func @transform_0(%arg0: i32) -> (i32, i32) {
    %c0_i32 = arith.constant 0 : i32
    %c0_i32_0 = arith.constant 0 : i32
    return %c0_i32, %arg0 : i32, i32
  }
  func.func @transform_1(%arg0: i32) -> (i32, i32) {
    %c0_i32 = arith.constant 0 : i32
    %c0_i32_0 = arith.constant 0 : i32
    %c0_i32_1 = arith.constant 0 : i32
    return %c0_i32, %c0_i32_0 : i32, i32
  }
}

</mosaic_0001>

<sc_bundles>
// kernel: kernel.4.cloned.1.call-start
scs
__scs_entry_jumppad:
0x0: {  	(pc) =	sbr.rel $0x88, $3  }
0x1: {  	(tag) =	ssettag $0x0;
	lr =	simm.s32 $0x1  }
0x2: {  	[smem:$0x3F9F] =	sst lr;
	_ =	strace $0xD0000000  }
0x3: {  	_ = 	snop  }
0x4: {  	_ = 	snop  }
0x5: {  	_ = 	snop  }
0x6: {  	_ = 	snop  }
0x7: {  	_ = 	snop  }
__scs_overlays_trampoline_lowered:
0x8: {  	[smem:$0x3FAE] =	sst s0  }
0x9: {  	[smem:$0x3FAF] =	sst s1  }
0xa: {  	[smem:$0x3FB0] =	sst s2  }
0xb: {  	[smem:$0x3FB1] =	sst s3  }
0xc: {  	[smem:$0x3FB2] =	sst s4  }
0xd: {  	[smem:$0x3FB3] =	sst s5  }
0xe: {  	[smem:$0x3FB4] =	sst s6  }
0xf: {  	[smem:$0x3FB5] =	sst s7  }
0x10: {  	[smem:$0x3FB6] =	sst s8  }
0x11: {  	[smem:$0x3FB7] =	sst s9;
	s0 =	simm.s32 @!p0 $0x0  }
0x12: {  	s1 =	sld [smem:$0x3F9D];
	s0 =	simm.s32 @p0 $0x1  }
0x13: {  	[smem:$0x3FB8] =	sst s0;
	s0 =	simm.s32 @!p1 $0x0  }
0x14: {  	s2 =	sld [smem:$0x3F9C];
	s0 =	simm.s32 @p1 $0x1  }
0x15: {  	[smem:$0x3FB9] =	sst s0;
	s0 =	simm.s32 @!p2 $0x0  }
0x16: {  	s3 =	sld [smem:$0x3FDB];
	s0 =	simm.s32 @p2 $0x1  }
0x17: {  	s4 =	simm.s32 $0x1BF5;
	[smem:$0x3FBB] =	sst s0  }
0x18: {  	s0 =	sld [smem:$0x3F9E];
	_ =	swait.ge [sflag:s4], $0x0  }
0x19: {  	s7 =	sld [smem:$0x3F9F]  }
0x1a: {  	s8 =	sadd.s32 $0xFFFFE003, lr  }
0x1b: {  	s9 =	sadd.s32 $0xFFFFFEF7, lr;
	s5 =	simm.s32 $0xFFFFFFFF;
	p2 =	slt.u32 s8, $0xFFFFF086  }
0x1c: {  	p1 =	slt.u32 s9, $0xF7A;
	s5 =	simm.s32 @!p2 $0x0  }
0x1d: {  	s5 =	simm.s32 @p1 $0x1;
	p0 =	seq.s32 s7, s2  }
0x1e: {  	s7 =	smul.u32 @!p0 $0xF7A, s2;
	p2 =	seq.s32 @!p0 s5, $0x0  }
0x1f: {  	s9 =	smul.u32 $0xF7A, s1;
	s8 =	simm.s32 @!p0 $0x1BF5;
	p2 =	por !p2, p0  }
0x20: {  	[sflag:s8] =	ssyncset.s32 @!p0 $0xFFFFF086;
	s6 =	sadd.s32 @!p0 s3, s7;
	s7 =	simm.s32 @!p0 $0x108  }
0x21: {  	s3 =	sadd.s32 s3, s9;
	s6 =	sadd.s32 @!p0 $0x88, s6;
	s7 =	simm.s32 @p2 $0x1082  }
0x22: {  	[simem:s7], [sflag:s8] =	dma.local @!p0 [hbm:s6], $0xF7A  }
0x23: {  	s9 =	sor.u32 $0xD0000000, s2;
	s6 =	simm.s32 $0x108;
	_ =	swait.ge @!p0 [sflag:s8], $0x0  }
0x24: {  	s3 =	sadd.s32 $0x88, s3;
	s6 =	simm.s32 @!p1 $0x1082;
	[sflag:s4] =	ssyncset.s32 $0xFFFFF086  }
0x25: {  	[simem:s6], [sflag:s4] =	dma.local [hbm:s3], $0xF7A  }
0x26: {  	[smem:$0x3F9F] =	sst s1;
	(tag) =	ssettag s2;
	_ =	strace s9  }
0x27: {  	s1 =	sld [smem:$0x3FAF]  }
0x28: {  	s2 =	sld [smem:$0x3FB0]  }
0x29: {  	s4 =	sld [smem:$0x3FB2]  }
0x2a: {  	p0 =	seq.s32 s5, $0x0;
	s5 =	sld [smem:$0x3FB3]  }
0x2b: {  	s6 =	sld [smem:$0x3FB4]  }
0x2c: {  	s7 =	sld [smem:$0x3FB5]  }
0x2d: {  	s3 =	simm.s32 $0x108;
	s8 =	sld [smem:$0x3FB6]  }
0x2e: {  	s3 =	simm.s32 @!p0 $0x1082;
	s9 =	sld [smem:$0x3FB7]  }
0x2f: {  	lr =	sadd.s32 s0, s3;
	s0 =	sld [smem:$0x3FAE]  }
0x30: {  	s3 =	sld [smem:$0x3FB1]  }
0x31: {  	[smem:$0x3FBA] =	sst s10  }
0x32: {  	s10 =	sld [smem:$0x3FB8];
	_ =	sdelay $0x3  }
0x33: {  	p0 =	seq.s32 s10, $0x1;
	s10 =	sld [smem:$0x3FBA];
	_ =	sdelay $0x3  }
0x34: {  	[smem:$0x3FBA] =	sst s10  }
0x35: {  	s10 =	sld [smem:$0x3FB9];
	_ =	sdelay $0x3  }
0x36: {  	p1 =	seq.s32 s10, $0x1;
	s10 =	sld [smem:$0x3FBA];
	_ =	sdelay $0x3  }
0x37: {  	[smem:$0x3FBA] =	sst s10  }
0x38: {  	s10 =	sld [smem:$0x3FBB]  }
0x39: {  	_ = 	snop;
	(pc) =	sbr.ind lr, $3  }
0x3a: {  	_ = 	snop  }
0x3b: {  	_ = 	snop  }
0x3c: {  	p2 =	seq.s32 s10, $0x1;
	s10 =	sld [smem:$0x3FBA]  }
0x3d: {  	_ =	shalt  }
0x3e: {  	_ =	shalt  }
0x3f: {  	_ =	shalt  }
0x40: {  	_ =	shalt  }
0x41: {  	_ =	shalt  }
0x42: {  	_ =	shalt  }
0x43: {  	_ =	shalt  }
0x44: {  	_ =	shalt  }
0x45: {  	_ =	shalt  }
0x46: {  	_ =	shalt  }
0x47: {  	_ =	shalt  }
0x48: {  	_ =	shalt  }
0x49: {  	_ =	shalt  }
0x4a: {  	_ =	shalt  }
0x4b: {  	_ =	shalt  }
0x4c: {  	_ =	shalt  }
0x4d: {  	_ =	shalt  }
0x4e: {  	_ =	shalt  }
0x4f: {  	_ =	shalt  }
0x50: {  	_ =	shalt  }
0x51: {  	_ =	shalt  }
0x52: {  	_ =	shalt  }
0x53: {  	_ =	shalt  }
0x54: {  	_ =	shalt  }
0x55: {  	_ =	shalt  }
0x56: {  	_ =	shalt  }
0x57: {  	_ =	shalt  }
0x58: {  	_ =	shalt  }
0x59: {  	_ =	shalt  }
0x5a: {  	_ =	shalt  }
0x5b: {  	_ =	shalt  }
0x5c: {  	_ =	shalt  }
0x5d: {  	_ =	shalt  }
0x5e: {  	_ =	shalt  }
0x5f: {  	_ =	shalt  }
0x60: {  	_ =	shalt  }
0x61: {  	_ =	shalt  }
0x62: {  	_ =	shalt  }
0x63: {  	_ =	shalt  }
0x64: {  	_ =	shalt  }
0x65: {  	_ =	shalt  }
0x66: {  	_ =	shalt  }
0x67: {  	_ =	shalt  }
0x68: {  	_ =	shalt  }
0x69: {  	_ =	shalt  }
0x6a: {  	_ =	shalt  }
0x6b: {  	_ =	shalt  }
0x6c: {  	_ =	shalt  }
0x6d: {  	_ =	shalt  }
0x6e: {  	_ =	shalt  }
0x6f: {  	_ =	shalt  }
0x70: {  	_ =	shalt  }
0x71: {  	_ =	shalt  }
0x72: {  	_ =	shalt  }
0x73: {  	_ =	shalt  }
0x74: {  	_ =	shalt  }
0x75: {  	_ =	shalt  }
0x76: {  	_ =	shalt  }
0x77: {  	_ =	shalt  }
0x78: {  	_ =	shalt  }
0x79: {  	_ =	shalt  }
0x7a: {  	_ =	shalt  }
0x7b: {  	_ =	shalt  }
0x7c: {  	_ =	shalt  }
0x7d: {  	_ =	shalt  }
0x7e: {  	_ =	shalt  }
0x7f: {  	_ =	shalt  }
0x80: {  	_ =	shalt  }
0x81: {  	_ =	shalt  }
0x82: {  	_ =	shalt  }
0x83: {  	_ =	shalt  }
0x84: {  	_ =	shalt  }
0x85: {  	_ =	shalt  }
0x86: {  	_ =	shalt  }
0x87: {  	_ =	shalt  }
.Lfunc_end0:
.L_simem_size_0:
called_computation_lowered:
.L_overlay_start_0:
0x88: {  	s2 =	sld [smem:$0x3FD9]  }
0x89: {  	s3 =	sld [smem:$0x3FFE];
	_ =	sdelay $0x1  }
0x8a: {  	s1 =	srdreg.scid  }
0x8b: {  	s0 =	sand.u32 $0x1, s1  }
0x8c: {  	s17 =	sshll.u32 s0, $0xA;
	s2 =	sadd.s32 s3, s2  }
0x8d: {  	s2 =	sadd.s32 s2, s17  }
0x8e: {  	[smem:$0x3FC6] =	sst s2  }
0x8f: {  	_ = 	snop  }
0x90: {  	s2 =	sld [smem:$0x3FC9]  }
0x91: {  	s18 =	sld [smem:$0x3FC8];
	(tm) =	ssettm $0x1  }
0x92: {  	s4 =	sld [smem:$0x3FFB];
	_ =	sdelay $0x3  }
0x93: {  	_ =	strace s4  }
0x94: {  	s4 =	sld [smem:$0x3FFC];
	_ =	sdelay $0x3  }
0x95: {  	_ =	strace s4  }
0x96: {  	s4 =	sld [smem:$0x3FFD];
	_ =	sdelay $0x3  }
0x97: {  	_ =	strace s4  }
0x98: {  	_ =	strace $0x8FFFFFFF  }
0x99: {  	s19 =	sld [smem:$0x3FDB];
	_ =	sdelay $0x1  }
0x9a: {  	s5 =	simm.s32 $_scs_section_size  }
0x9b: {  	s6 =	simm.s32 $_size__tile_overlayer_lowered;
	s7 =	simm.s32 $_tile_overlayer_lowered  }
0x9c: {  	s22 =	simm.s32 $0x1BFF;
	s21 =	sshll.u32 s7, $0x1;
	s4 =	sadd.s32 s5, s19  }
0x9d: {  	s8 =	simm.s32 $0x0;
	s20 =	sshll.u32 s6, $0x1;
	s6 =	sadd.s32 s21, s4  }
0x9e: {  	[timem:s8], [sflag:s22] =	dma.local [hbm:s6], s20  }
0x9f: {  	_ =	swait.ge [sflag:s22], s20  }
0xa0: {  	s5 =	ssub.s32 $0x0, s20;
	[sflag:s22] =	ssyncset.done $0x0  }
0xa1: {  	[sflag:s22] =	ssyncadd.s32 s5;
	_ =	sdelay $0x1  }
0xa2: {  	s23 =	simm.s32 $0x1B8B  }
0xa3: {  	_ =	swait.ge [sflag:s23], $0x1  }
0xa4: {  	[sflag:s23] =	ssyncset.done $0x0  }
0xa5: {  	s25 =	simm.s32 $0x1B8E;
	s24 =	sld [smem:$0x3FFE];
	[sflag:s23] =	ssyncadd.s32 $0xFFFFFFFF  }
0xa6: {  	s26 =	simm.s32 $execute0_lowered;
	[smem:$0x3FD2] =	sst s25  }
0xa7: {  	s6 =	sshll.u32 s26, $0x1;
	_ =	strace $0x80000046;
	[dreg:$0x1] =	wrdreg $0xFFFFFFFF  }
0xa8: {  	s28 =	simm.s32 $_size_execute0_lowered;
	s4 =	sadd.s32 s4, s6;
	[dreg:$0x0] =	wrdreg $0x0  }
0xa9: {  	s6 =	sshll.u32 s28, $0x1;
	[dreg:$0x2] =	wrdreg s4  }
0xaa: {  	[dreg:$0x3] =	wrdreg s6  }
0xab: {  	[dreg:$0x4] =	wrdreg $0xC0  }
0xac: {  	_ =	task [dreg:s8], $0x5FFFF  }
0xad: {  	[dreg:$0x1] =	wrdreg $0xFFFFFFFF  }
0xae: {  	[dreg:$0x0] =	wrdreg $0x60  }
0xaf: {  	[dreg:$0x2] =	wrdreg s2  }
0xb0: {  	[dreg:$0x3] =	wrdreg s18  }
0xb1: {  	[dreg:$0x4] =	wrdreg s24  }
0xb2: {  	[dreg:$0x5] =	wrdreg $0x1A7800  }
0xb3: {  	[dreg:$0x6] =	wrdreg $0x9  }
0xb4: {  	_ =	task.clear_ibuf [dreg:s8], $0x7FFFF;
	_ =	strace $0x90000046  }
0xb5: {  	s29 =	simm.s32 $0x9;
	_ =	strace $0x80000048  }
0xb6: {  	_ =	swait.ge [sflag:s29], $0x1  }
0xb7: {  	[sflag:s29] =	ssyncadd.s32 $0xFFFFFFFF  }
0xb8: {  	_ =	strace $0x90000048  }
0xb9: {  	_ =	sfence  }
0xba: {  	s30 =	sld [smem:$0x0];
	_ =	sdelay $0x2  }
0xbb: {  	s31 =	sshll.u32 s1, $0xD;
	s1 =	sshrl.u32 s1, $0x2  }
0xbc: {  	s3 =	sand.u32 $0x4000, s31;
	s1 =	sadd.s32 s1, s30  }
0xbd: {  	s0 =	sor.u32 s3, s0;
	s1 =	sshll.u32 s1, $0x11  }
0xbe: {  	s0 =	sor.u32 s1, s0  }
0xbf: {  	s0 =	sadd.s32 $0x8F2B, s0  }
0xc0: {  	[sflag:s0] =	ssyncadd.remote.s32 $0x1  }
0xc1: {  	_ =	sfence.sel $0xFFFF  }
0xc2: {  	[dreg:$0x0] =	wrdreg $0xFFFFFFFF;
	(pc) =	sbr.abs _section_cstart, $3  }
0xc3: {  	[dreg:$0x1] =	wrdreg $0xFFFFFFFF  }
0xc4: {  	_ =	task.clear_ibuf [dreg:s8], $0x2FFFF;
	_ =	strace $0x9FFFFFFF  }
0xc5: {  	(tm) =	ssettm $0x7FFFFFFF  }
tec
execute0_lowered:
.L_overlay_start_1:
0x0: {  	(tag) =	ssettag $0x1  }
0x1: {  	s6 =	rddreg [dreg:$0x0]  }
0x2: {  	s7 =	rddreg [dreg:$0x1]  }
0x3: {  	s5 =	rddreg [dreg:$0x2]  }
0x4: {  	s0 =	srdreg.scid;
	s1 =	rddreg [dreg:$0x3];
	s2 =	simm.s32 $0x0  }
0x5: {  	s3 =	stileid.u32;
	s14 =	simm.s32 $0x19700;
	s16 =	simm.s32 $0x1A700  }
0x6: {  	s19 =	simm.s32 $0x0;
	s8 =	sand.u32 $0x1, s0;
	s0 =	rddreg [dreg:$0x4]  }
0x7: {  	[smem:$0x7FF] =	sst s2;
	s4 =	sadd.s32 $0xA00, s5;
	s5 =	sadd.s32 $0xC00, s5  }
0x8: {  	p0 =	slt.u32 s3, $0xD;
	p2 =	sgt.u32 s3, $0xC;
	s9 =	smul.u32 $0xD, s8  }
0x9: {  	_ =	strace $0x80000047;
	s10 =	ssub.s32 $0x2, s8;
	p1 =	seq.s32 s8, $0x1  }
0xa: {  	s15 =	sor.u32 s8, s3;
	s12 =	sshrl.u32 s10, $0x1;
	p0 =	por !p0, !p1  }
0xb: {  	p1 =	sne.s32 s3, $0x0;
	p3 =	sne.s32 s15, $0x0;
	s15 =	simm.s32 $0x20  }
0xc: {  	s9 =	sadd.s32 s3, s9;
	s10 =	ssub.s32 s10, s12;
	p0 =	por !p0, !p0  }
0xd: {  	s12 =	simm.s32 $0x2;
	s17 =	sshll.u32 @!p3 s3, $0x6;
	s11 =	sshrl.u32 s9, $0x3  }
0xe: {  	s18 =	sshrl.u32 @!p3 s1, $0x3;
	s9 =	sshll.u32 s9, $0x7;
	s13 =	smul.u32 $0xC3800, s11  }
.Ltmp0:
0xf: {  	s8 =	smax.u32 s10, $0x1;
	s10 =	simm.s32 $0x400;
	(pc) =	sbr.rel .LBB2_1-.Ltmp0, $4  }
0x10: {  	s17 =	sor.u32 @!p3 $0x1C02, s17;
	s9 =	sand.u32 $0x380, s9;
	s11 =	sshll.u32 s11, $0xF  }
0x11: {  	s30 =	sor.u32 s9, s13;
	s9 =	sor.u32 s9, s11;
	s11 =	simm.s32 $0x18700  }
0x12: {  	v0 =	vlaneseq.u32;
	s13 =	simm.s32 $0x1;
	s31 =	sshrl.u32 s30, $0x3;
	s9 =	sshrl.u32 s9, $0x3  }
0x13: {  	v1 =	vor.u32 $0x10, v0;
	s6 =	sadd.s32 s6, s31;
	s7 =	sadd.s32 s7, s9;
	s9 =	simm.s32 $0x80  }
.LBB2_5:
0x14: {  	[spmem:s1] =	stream.linear.scatter [tilespmem:s14], [sflag:$0x2], $0x1000, $0x38;
	[tilespmem:$0x1A880] =	vst v63  }
0x15: {  	_ =	swait.ge [sflag:s12], $0x1000  }
0x16: {  	[sflag:s12] =	ssyncset.done $0x0  }
0x17: {  	[sflag:s12] =	ssyncadd.s32 $0xFFFFF000  }
.LBB2_6:
0x18: {  	[bflag:$0x0] =	sbarrier.arrive $0xFFFF;
	p4 =	por p0, p0  }
.LBB2_8:
0x19: {  	[bflag:$0x0] =	sbarrier.arrive $0xFFFF;
	s20 =	simm.s32 @!p3 $0x2  }
0x1a: {  	[hbm:s4], [sflag:s17] =	dma.local @!p3 [spmem:s18], $0x200  }
0x1b: {  	s19 =	sadd.s32 $0x1, s19;
	_ =	swait.ge @!p3 [sflag:s20], $0x200  }
0x1c: {  	s21 =	sshll.u32 @p4 s3, $0x6;
	p5 =	sne.s32 s19, s8;
	[sflag:s20] =	ssyncset.done @!p3 $0x0  }
0x1d: {  	[sflag:s20] =	ssyncadd.s32 @!p3 $0xFFFFFE00;
	s20 =	sor.u32 @p4 $0x1C02, s21;
	s21 =	sshrl.u32 @p4 s1, $0x3  }
0x1e: {  	[hbm:s5], [sflag:s20] =	dma.local @p4 [spmem:s21], $0x200  }
.Ltmp1:
0x1f: {  	_ = 	snop;
	(pc) =	sbr.rel @!p5 .LBB2_9-.Ltmp1, $4  }
0x20: {  	s20 =	simm.s32 @p4 $0x2  }
0x21: {  	_ =	swait.ge @p4 [sflag:s20], $0x200  }
0x22: {  	[sflag:s20] =	ssyncset.done @p4 $0x0  }
0x23: {  	[sflag:s20] =	ssyncadd.s32 @p4 $0xFFFFFE00  }
.LBB2_1:
.Ltmp2:
0x24: {  	(pc) =	sbr.rel @p2 .LBB2_6-.Ltmp2, $3  }
0x25: {  	_ =	sdelay $0x1  }
0x26: {  	[tilespmem:$0x1A700] =	vst v0  }
0x27: {  	[tilespmem:$0x1A710] =	vst v1  }
0x28: {  	[tilespmem:s2], [sflag:$0x1] =	stream.strided.gather [hbm4b:s6+s9], $0x18700, s10, s9, $0x38;
	[tilespmem:$0x1A880] =	vst v63  }
0x29: {  	_ = 	snop  }
0x2a: {  	[tilespmem:s11], [sflag:$0x2] =	stream.strided.gather [hbm4b:s7+s9], $0x1000, s10, s9, $0x38;
	[tilespmem:$0x1A880] =	vst v63  }
0x2b: {  	_ =	swait.ge [sflag:s12], $0x1000  }
0x2c: {  	[sflag:s12] =	ssyncset.done $0x0  }
0x2d: {  	[sflag:s12] =	ssyncadd.s32 $0xFFFFF000  }
0x2e: {  	_ =	swait.ge [sflag:s13], $0x18700  }
0x2f: {  	[sflag:s13] =	ssyncset.done $0x0  }
0x30: {  	s28 =	simm.s32 $0x18780;
	[sflag:s13] =	ssyncadd.s32 $0xFFFE7900  }
0x31: {  	v2 =	vld [tilespmem:s28+$0x0];
	_ =	sdelay $0x1  }
0x32: {  	v3 =	vld [tilespmem:s28+$0xFFFFFF80];
	_ =	sdelay $0x5  }
0x33: {  	v2 =	vld.idx.msk [tilespmem:v2+s2+$0x0], $0xffff;
	_ =	sdelay $0x1  }
0x34: {  	v3 =	vld.idx.msk [tilespmem:v3+s2+$0x0], $0xffff;
	_ =	sdelay $0x1  }
0x35: {  	s20 =	simm.s32 $0x19780  }
0x36: {  	[tilespmem:s20+$0x0] =	vst v2  }
0x37: {  	v2 =	vld [tilespmem:s28+$0x10]  }
0x38: {  	[tilespmem:s20+$0xFFFFFF80] =	vst v3  }
0x39: {  	v3 =	vld [tilespmem:s28+$0xFFFFFF90];
	_ =	sdelay $0x3  }
0x3a: {  	s22 =	simm.s32 $0x18880  }
0x3b: {  	v4 =	vld [tilespmem:s22+$0x0]  }
0x3c: {  	v2 =	vld.idx.msk [tilespmem:v2+s2+$0x0], $0xffff;
	_ =	sdelay $0x1  }
0x3d: {  	v3 =	vld.idx.msk [tilespmem:v3+s2+$0x0], $0xffff;
	_ =	sdelay $0x2  }
0x3e: {  	[tilespmem:s20+$0x10] =	vst v2  }
0x3f: {  	v2 =	vld [tilespmem:s28+$0x20]  }
0x40: {  	[tilespmem:s20+$0xFFFFFF90] =	vst v3;
	v3 =	vld.idx.msk [tilespmem:v4+s2+$0x0], $0xffff  }
0x41: {  	v5 =	vld [tilespmem:s22+$0xFFFFFF80];
	_ =	sdelay $0x1  }
0x42: {  	v4 =	vld [tilespmem:s28+$0xFFFFFFA0]  }
0x43: {  	s21 =	simm.s32 $0x19880  }
0x44: {  	[tilespmem:s21+$0x0] =	vst v3  }
0x45: {  	v3 =	vld [tilespmem:s22+$0x10]  }
0x46: {  	v2 =	vld.idx.msk [tilespmem:v2+s2+$0x0], $0xffff;
	_ =	sdelay $0x1  }
0x47: {  	v5 =	vld.idx.msk [tilespmem:v5+s2+$0x0], $0xffff;
	_ =	sdelay $0x1  }
0x48: {  	v4 =	vld.idx.msk [tilespmem:v4+s2+$0x0], $0xffff  }
0x49: {  	[tilespmem:s20+$0x20] =	vst v2  }
0x4a: {  	v2 =	vld [tilespmem:s28+$0x30]  }
0x4b: {  	[tilespmem:s21+$0xFFFFFF80] =	vst v5;
	v3 =	vld.idx.msk [tilespmem:v3+s2+$0x0], $0xffff  }
0x4c: {  	v5 =	vld [tilespmem:s22+$0xFFFFFF90]  }
0x4d: {  	[tilespmem:s20+$0xFFFFFFA0] =	vst v4  }
0x4e: {  	v4 =	vld [tilespmem:s28+$0xFFFFFFB0];
	_ =	sdelay $0x1  }
0x4f: {  	[tilespmem:s21+$0x10] =	vst v3  }
0x50: {  	v3 =	vld [tilespmem:s22+$0x20]  }
0x51: {  	s23 =	simm.s32 $0x18980;
	v2 =	vld.idx.msk [tilespmem:v2+s2+$0x0], $0xffff  }
0x52: {  	v6 =	vld [tilespmem:s23+$0x0]  }
0x53: {  	v5 =	vld.idx.msk [tilespmem:v5+s2+$0x0], $0xffff  }
0x54: {  	v7 =	vld [tilespmem:s23+$0xFFFFFF80]  }
0x55: {  	v4 =	vld.idx.msk [tilespmem:v4+s2+$0x0], $0xffff  }
0x56: {  	[tilespmem:s20+$0x30] =	vst v2  }
0x57: {  	v2 =	vld [tilespmem:s28+$0x40]  }
0x58: {  	[tilespmem:s21+$0xFFFFFF90] =	vst v5;
	v3 =	vld.idx.msk [tilespmem:v3+s2+$0x0], $0xffff  }
0x59: {  	v5 =	vld [tilespmem:s22+$0xFFFFFFA0]  }
0x5a: {  	v6 =	vld.idx.msk [tilespmem:v6+s2+$0x0], $0xffff;
	[tilespmem:s20+$0xFFFFFFB0] =	vst v4  }
0x5b: {  	v4 =	vld [tilespmem:s28+$0xFFFFFFC0]  }
0x5c: {  	s25 =	simm.s32 $0x18A80;
	v7 =	vld.idx.msk [tilespmem:v7+s2+$0x0], $0xffff  }
0x5d: {  	v8 =	vld [tilespmem:s25+$0x0];
	[tilespmem:s21+$0x20] =	vst v3  }
0x5e: {  	s24 =	simm.s32 $0x19980;
	v3 =	vld [tilespmem:s22+$0x30]  }
0x5f: {  	[tilespmem:s24+$0x0] =	vst v6;
	v2 =	vld.idx.msk [tilespmem:v2+s2+$0x0], $0xffff  }
0x60: {  	v6 =	vld [tilespmem:s23+$0x10]  }
0x61: {  	[tilespmem:s24+$0xFFFFFF80] =	vst v7;
	v5 =	vld.idx.msk [tilespmem:v5+s2+$0x0], $0xffff  }
0x62: {  	v7 =	vld [tilespmem:s23+$0xFFFFFF90]  }
0x63: {  	v4 =	vld.idx.msk [tilespmem:v4+s2+$0x0], $0xffff  }
0x64: {  	v9 =	vld [tilespmem:s25+$0xFFFFFF80];
	[tilespmem:s20+$0x40] =	vst v2  }
0x65: {  	v2 =	vld [tilespmem:s28+$0x50]  }
0x66: {  	[tilespmem:s21+$0xFFFFFFA0] =	vst v5;
	v3 =	vld.idx.msk [tilespmem:v3+s2+$0x0], $0xffff  }
0x67: {  	v5 =	vld [tilespmem:s22+$0xFFFFFFB0]  }
0x68: {  	v6 =	vld.idx.msk [tilespmem:v6+s2+$0x0], $0xffff;
	[tilespmem:s20+$0xFFFFFFC0] =	vst v4  }
0x69: {  	v4 =	vld [tilespmem:s28+$0xFFFFFFD0]  }
0x6a: {  	v7 =	vld.idx.msk [tilespmem:v7+s2+$0x0], $0xffff  }
0x6b: {  	v8 =	vld.idx.msk [tilespmem:v8+s2+$0x0], $0xffff;
	[tilespmem:s21+$0x30] =	vst v3  }
0x6c: {  	v3 =	vld [tilespmem:s22+$0x40]  }
0x6d: {  	[tilespmem:s24+$0x10] =	vst v6;
	v2 =	vld.idx.msk [tilespmem:v2+s2+$0x0], $0xffff  }
0x6e: {  	v6 =	vld [tilespmem:s23+$0x20]  }
0x6f: {  	[tilespmem:s24+$0xFFFFFF90] =	vst v7;
	v5 =	vld.idx.msk [tilespmem:v5+s2+$0x0], $0xffff  }
0x70: {  	v7 =	vld [tilespmem:s23+$0xFFFFFFA0]  }
0x71: {  	v4 =	vld.idx.msk [tilespmem:v4+s2+$0x0], $0xffff  }
0x72: {  	v9 =	vld.idx.msk [tilespmem:v9+s2+$0x0], $0xffff;
	[tilespmem:s20+$0x50] =	vst v2  }
0x73: {  	v2 =	vld [tilespmem:s28+$0x60]  }
0x74: {  	s26 =	simm.s32 $0x19A80;
	[tilespmem:s21+$0xFFFFFFB0] =	vst v5;
	v3 =	vld.idx.msk [tilespmem:v3+s2+$0x0], $0xffff  }
0x75: {  	[tilespmem:s26+$0x0] =	vst v8;
	v5 =	vld [tilespmem:s22+$0xFFFFFFC0]  }
0x76: {  	[tilespmem:s20+$0xFFFFFFD0] =	vst v4;
	v4 =	vld.idx.msk [tilespmem:v6+s2+$0x0], $0xffff  }
0x77: {  	v8 =	vld [tilespmem:s25+$0x10]  }
0x78: {  	v6 =	vld [tilespmem:s28+$0xFFFFFFE0]  }
0x79: {  	v7 =	vld.idx.msk [tilespmem:v7+s2+$0x0], $0xffff;
	[tilespmem:s21+$0x40] =	vst v3  }
0x7a: {  	v3 =	vld [tilespmem:s22+$0x50]  }
0x7b: {  	[tilespmem:s24+$0x20] =	vst v4;
	v2 =	vld.idx.msk [tilespmem:v2+s2+$0x0], $0xffff  }
0x7c: {  	v4 =	vld [tilespmem:s23+$0x30]  }
0x7d: {  	[tilespmem:s26+$0xFFFFFF80] =	vst v9;
	v5 =	vld.idx.msk [tilespmem:v5+s2+$0x0], $0xffff  }
0x7e: {  	v10 =	vld [tilespmem:s25+$0xFFFFFF90];
	[tilespmem:s24+$0xFFFFFFA0] =	vst v7  }
0x7f: {  	v11 =	vld [tilespmem:s23+$0xFFFFFFB0]  }
0x80: {  	v6 =	vld.idx.msk [tilespmem:v6+s2+$0x0], $0xffff;
	[tilespmem:s20+$0x60] =	vst v2  }
0x81: {  	v2 =	vld [tilespmem:s28+$0x70]  }
0x82: {  	[tilespmem:s21+$0xFFFFFFC0] =	vst v5;
	v3 =	vld.idx.msk [tilespmem:v3+s2+$0x0], $0xffff  }
0x83: {  	v12 =	vld [tilespmem:s22+$0xFFFFFFD0]  }
0x84: {  	v4 =	vld.idx.msk [tilespmem:v4+s2+$0x0], $0xffff  }
0x85: {  	[tilespmem:s20+$0xFFFFFFE0] =	vst v6;
	v6 =	vld.idx.msk [tilespmem:v8+s2+$0x0], $0xffff;
	_ =	sdelay $0x1  }
0x86: {  	v7 =	vld.idx.msk [tilespmem:v10+s2+$0x0], $0xffff;
	[tilespmem:s21+$0x50] =	vst v3  }
0x87: {  	v3 =	vld [tilespmem:s22+$0x60]  }
0x88: {  	[tilespmem:s24+$0x30] =	vst v4;
	v9 =	vld.idx.msk [tilespmem:v2+s2+$0x0], $0xffff  }
0x89: {  	[tilespmem:s26+$0x10] =	vst v6;
	v6 =	vld.idx.msk [tilespmem:v11+s2+$0x0], $0xffff  }
0x8a: {  	v5 =	vld [tilespmem:s23+$0x40]  }
0x8b: {  	v4 =	vld.idx.msk [tilespmem:v12+s2+$0x0], $0xffff  }
0x8c: {  	v8 =	vld [tilespmem:s25+$0x20]  }
0x8d: {  	s29 =	simm.s32 $0x18B80;
	v2 =	vld [tilespmem:s28+$0xFFFFFFF0];
	s28 =	simm.s32 $0x6;
	[tilespmem:s20+$0x70] =	vst v9  }
.LBB2_3:
0x8e: {  	v9 =	vld [tilespmem:s29+$0x0];
	s28 =	sadd.s32 $0x2, s28;
	s30 =	smov.u32 s24;
	s24 =	smov.u32 s26  }
0x8f: {  	v10 =	vld [tilespmem:s29+$0xFFFFFF80];
	p4 =	slt.u32 s28, $0x1E;
	[tilespmem:s26+$0xFFFFFF90] =	vst v7  }
0x90: {  	v3 =	vld.idx.msk [tilespmem:v3+s2+$0x0], $0xffff  }
0x91: {  	v7 =	vld [tilespmem:s25+$0xFFFFFFA0];
	[tilespmem:s30+$0xFFFFFFB0] =	vst v6  }
0x92: {  	v5 =	vld.idx.msk [tilespmem:v5+s2+$0x0], $0xffff  }
0x93: {  	v6 =	vld [tilespmem:s23+$0xFFFFFFC0];
	[tilespmem:s21+$0xFFFFFFD0] =	vst v4  }
0x94: {  	v4 =	vld.idx.msk [tilespmem:v8+s2+$0x0], $0xffff  }
0x95: {  	v8 =	vld [tilespmem:s22+$0xFFFFFFE0]  }
0x96: {  	v9 =	vld.idx.msk [tilespmem:v9+s2+$0x0], $0xffff;
	[tilespmem:s21+$0x60] =	vst v3  }
0x97: {  	v3 =	vld [tilespmem:s22+$0x70]  }
0x98: {  	v10 =	vld.idx.msk [tilespmem:v10+s2+$0x0], $0xffff;
	[tilespmem:s30+$0x40] =	vst v5  }
0x99: {  	v5 =	vld [tilespmem:s23+$0x50]  }
0x9a: {  	v7 =	vld.idx.msk [tilespmem:v7+s2+$0x0], $0xffff;
	[tilespmem:s26+$0x20] =	vst v4  }
0x9b: {  	s26 =	sadd.s32 $0x100, s26;
	v4 =	vld [tilespmem:s25+$0x30]  }
0x9c: {  	[tilespmem:s26+$0x0] =	vst v9;
	v6 =	vld.idx.msk [tilespmem:v6+s2+$0x0], $0xffff  }
0x9d: {  	v9 =	vld [tilespmem:s29+$0x10]  }
0x9e: {  	[tilespmem:s26+$0xFFFFFF80] =	vst v10;
	v8 =	vld.idx.msk [tilespmem:v8+s2+$0x0], $0xffff  }
0x9f: {  	v3 =	vld.idx.msk [tilespmem:v3+s2+$0x0], $0xffff  }
0xa0: {  	v10 =	vld [tilespmem:s29+$0xFFFFFF90];
	[tilespmem:s24+$0xFFFFFFA0] =	vst v7  }
0xa1: {  	v5 =	vld.idx.msk [tilespmem:v5+s2+$0x0], $0xffff  }
0xa2: {  	v11 =	vld [tilespmem:s25+$0xFFFFFFB0];
	[tilespmem:s30+$0xFFFFFFC0] =	vst v6  }
0xa3: {  	v4 =	vld.idx.msk [tilespmem:v4+s2+$0x0], $0xffff  }
0xa4: {  	v12 =	vld [tilespmem:s23+$0xFFFFFFD0];
	[tilespmem:s21+$0xFFFFFFE0] =	vst v8  }
0xa5: {  	v6 =	vld.idx.msk [tilespmem:v9+s2+$0x0], $0xffff;
	[tilespmem:s21+$0x70] =	vst v3  }
0xa6: {  	v8 =	vld [tilespmem:s22+$0xFFFFFFF0];
	s22 =	smov.u32 s23;
	s23 =	smov.u32 s25;
	s25 =	smov.u32 s29  }
0xa7: {  	[tilespmem:s30+$0x50] =	vst v5;
	v9 =	vld.idx.msk [tilespmem:v2+s2+$0x0], $0xffff  }
0xa8: {  	v3 =	vld [tilespmem:s22+$0x60]  }
.Ltmp3:
0xa9: {  	v7 =	vld.idx.msk [tilespmem:v10+s2+$0x0], $0xffff;
	[tilespmem:s24+$0x30] =	vst v4;
	(pc) =	sbr.rel @p4 .LBB2_3-.Ltmp3, $4  }
0xaa: {  	v5 =	vld [tilespmem:s23+$0x40]  }
0xab: {  	[tilespmem:s26+$0x10] =	vst v6;
	v6 =	vld.idx.msk [tilespmem:v11+s2+$0x0], $0xffff;
	v2 =	vmov v8  }
0xac: {  	v8 =	vld [tilespmem:s29+$0x20]  }
0xad: {  	s29 =	sadd.s32 $0x100, s29;
	v4 =	vld.idx.msk [tilespmem:v12+s2+$0x0], $0xffff;
	[tilespmem:s20+$0xFFFFFFF0] =	vst v9;
	s20 =	smov.u32 s21;
	s21 =	smov.u32 s30  }
0xae: {  	[tilespmem:s26+$0xFFFFFF90] =	vst v7  }
0xaf: {  	v7 =	vld [tilespmem:s25+$0xFFFFFFA0];
	_ =	sdelay $0x6  }
0xb0: {  	v8 =	vld.idx.msk [tilespmem:v8+s2+$0x0], $0xffff  }
0xb1: {  	v7 =	vld.idx.msk [tilespmem:v7+s2+$0x0], $0xffff;
	_ =	sdelay $0x3  }
0xb2: {  	[tilespmem:s26+$0x20] =	vst v8  }
0xb3: {  	v8 =	vld [tilespmem:s25+$0x30];
	[tilespmem:s26+$0xFFFFFFA0] =	vst v7  }
0xb4: {  	v7 =	vld [tilespmem:s25+$0xFFFFFFB0];
	_ =	sdelay $0x6  }
0xb5: {  	v8 =	vld.idx.msk [tilespmem:v8+s2+$0x0], $0xffff  }
0xb6: {  	v7 =	vld.idx.msk [tilespmem:v7+s2+$0x0], $0xffff;
	_ =	sdelay $0x2  }
0xb7: {  	[tilespmem:s24+$0xFFFFFFB0] =	vst v6  }
0xb8: {  	v61 =	vld [tilespmem:s23+$0xFFFFFFC0];
	[tilespmem:s26+$0x30] =	vst v8  }
0xb9: {  	v60 =	vld [tilespmem:s25+$0x40];
	[tilespmem:s26+$0xFFFFFFB0] =	vst v7  }
0xba: {  	v7 =	vld [tilespmem:s25+$0xFFFFFFC0];
	_ =	sdelay $0x4  }
0xbb: {  	v5 =	vld.idx.msk [tilespmem:v5+s2+$0x0], $0xffff  }
0xbc: {  	v8 =	vld.idx.msk [tilespmem:v61+s2+$0x0], $0xffff  }
0xbd: {  	v6 =	vld.idx.msk [tilespmem:v60+s2+$0x0], $0xffff  }
0xbe: {  	v7 =	vld.idx.msk [tilespmem:v7+s2+$0x0], $0xffff;
	_ =	sdelay $0x1  }
0xbf: {  	[tilespmem:s24+$0x40] =	vst v5  }
0xc0: {  	v5 =	vld [tilespmem:s23+$0x50];
	[tilespmem:s24+$0xFFFFFFC0] =	vst v8  }
0xc1: {  	v8 =	vld [tilespmem:s23+$0xFFFFFFD0];
	[tilespmem:s26+$0x40] =	vst v6  }
0xc2: {  	v6 =	vld [tilespmem:s25+$0x50];
	[tilespmem:s26+$0xFFFFFFC0] =	vst v7  }
0xc3: {  	v7 =	vld [tilespmem:s25+$0xFFFFFFD0];
	_ =	sdelay $0x4  }
0xc4: {  	v5 =	vld.idx.msk [tilespmem:v5+s2+$0x0], $0xffff  }
0xc5: {  	v8 =	vld.idx.msk [tilespmem:v8+s2+$0x0], $0xffff  }
0xc6: {  	v6 =	vld.idx.msk [tilespmem:v6+s2+$0x0], $0xffff  }
0xc7: {  	v7 =	vld.idx.msk [tilespmem:v7+s2+$0x0], $0xffff  }
0xc8: {  	v3 =	vld.idx.msk [tilespmem:v3+s2+$0x0], $0xffff;
	[tilespmem:s21+$0xFFFFFFD0] =	vst v4  }
0xc9: {  	v63 =	vld [tilespmem:s22+$0xFFFFFFE0];
	[tilespmem:s24+$0x50] =	vst v5  }
0xca: {  	v62 =	vld [tilespmem:s23+$0x60];
	[tilespmem:s24+$0xFFFFFFD0] =	vst v8  }
0xcb: {  	v8 =	vld [tilespmem:s23+$0xFFFFFFE0];
	[tilespmem:s26+$0x50] =	vst v6  }
0xcc: {  	v6 =	vld [tilespmem:s25+$0x60];
	[tilespmem:s26+$0xFFFFFFD0] =	vst v7  }
0xcd: {  	v7 =	vld [tilespmem:s25+$0xFFFFFFE0];
	_ =	sdelay $0x1  }
0xce: {  	[tilespmem:s21+$0x60] =	vst v3  }
0xcf: {  	v3 =	vld [tilespmem:s22+$0x70]  }
0xd0: {  	v5 =	vld.idx.msk [tilespmem:v63+s2+$0x0], $0xffff  }
0xd1: {  	v4 =	vld.idx.msk [tilespmem:v62+s2+$0x0], $0xffff  }
0xd2: {  	v8 =	vld.idx.msk [tilespmem:v8+s2+$0x0], $0xffff  }
0xd3: {  	v6 =	vld.idx.msk [tilespmem:v6+s2+$0x0], $0xffff  }
0xd4: {  	v7 =	vld.idx.msk [tilespmem:v7+s2+$0x0], $0xffff  }
0xd5: {  	[tilespmem:s21+$0xFFFFFFE0] =	vst v5  }
0xd6: {  	v5 =	vld [tilespmem:s22+$0xFFFFFFF0];
	[tilespmem:s24+$0x60] =	vst v4  }
0xd7: {  	v4 =	vld [tilespmem:s23+$0x70];
	[tilespmem:s24+$0xFFFFFFE0] =	vst v8  }
0xd8: {  	v8 =	vld [tilespmem:s23+$0xFFFFFFF0];
	[tilespmem:s26+$0x60] =	vst v6  }
0xd9: {  	v6 =	vld [tilespmem:s25+$0x70];
	[tilespmem:s26+$0xFFFFFFE0] =	vst v7  }
0xda: {  	v7 =	vld [tilespmem:s25+$0xFFFFFFF0]  }
0xdb: {  	v3 =	vld.idx.msk [tilespmem:v3+s2+$0x0], $0xffff;
	_ =	sdelay $0x1  }
0xdc: {  	v2 =	vld.idx.msk [tilespmem:v2+s2+$0x0], $0xffff  }
0xdd: {  	v5 =	vld.idx.msk [tilespmem:v5+s2+$0x0], $0xffff  }
0xde: {  	v4 =	vld.idx.msk [tilespmem:v4+s2+$0x0], $0xffff  }
0xdf: {  	[tilespmem:s21+$0x70] =	vst v3;
	v3 =	vld.idx.msk [tilespmem:v8+s2+$0x0], $0xffff  }
0xe0: {  	v6 =	vld.idx.msk [tilespmem:v6+s2+$0x0], $0xffff  }
0xe1: {  	[tilespmem:s20+$0xFFFFFFF0] =	vst v2;
	v2 =	vld.idx.msk [tilespmem:v7+s2+$0x0], $0xffff  }
.Ltmp4:
0xe2: {  	[tilespmem:s21+$0xFFFFFFF0] =	vst v5;
	(pc) =	sbr.rel @!p1 .LBB2_5-.Ltmp4, $4  }
0xe3: {  	[tilespmem:s24+$0x70] =	vst v4  }
0xe4: {  	[tilespmem:s24+$0xFFFFFFF0] =	vst v3  }
0xe5: {  	[tilespmem:s26+$0x70] =	vst v6  }
0xe6: {  	[tilespmem:s26+$0xFFFFFFF0] =	vst v2  }
.Ltmp5:
0xe7: {  	[bflag:$0x0] =	sbarrier.arrive $0xFFFF;
	(pc) =	sbr.rel .LBB2_8-.Ltmp5, $4  }
0xe8: {  	[spmem:s1] =	stream.indirect.scatter.add.f32 [tilespmem:s14], [sflag:$0x2], $0x80, s16, s15, $0xb8;
	[tilespmem:$0x1A880] =	vst v63  }
0xe9: {  	_ =	swait.ge [sflag:s12], $0x1000  }
0xea: {  	[sflag:s12] =	ssyncset.done $0x0  }
0xeb: {  	p4 =	por $0x0, $0x0;
	[sflag:s12] =	ssyncadd.s32 $0xFFFFF000  }
.LBB2_9:
0xec: {  	_ =	sfence.sel $0x180000  }
0xed: {  	[bflag:$0x0] =	sbarrier.arrive $0xFFFF  }
0xee: {  	_ =	strace $0x90000047  }
0xef: {  	s0 =	sadd.s32 @!p1 $0x100000, s0;
	[bflag:$0x2] =	sbarrier.arrive $0xFFFF  }
0xf0: {  	[sflag:s0] =	ssyncadd.tile.s32 @!p1 $0x1;
	_ =	shalt  }
.Lfunc_end2:
_tile_overlayer_lowered:
.L_overlay_start_2:
0xf1: {  	(tag) =	ssettag $0x2  }
0xf2: {  	s0 =	rddreg [dreg:$0x0];
	s2 =	stileid.u32  }
0xf3: {  	s1 =	rddreg [dreg:$0x1];
	p0 =	sne.s32 s2, $0x0  }
0xf4: {  	s3 =	rddreg [dreg:$0x2];
	[bflag:$0x3] =	sbarrier.arrive $0xFFFF;
	s2 =	simm.s32 @!p0 $0x1C02  }
0xf5: {  	[timem:s3], [sflag:s2] =	dma.local @!p0 [hbm:s0], s1  }
0xf6: {  	s0 =	simm.s32 @!p0 $0x2  }
0xf7: {  	_ =	swait.ge @!p0 [sflag:s0], s1  }
0xf8: {  	s1 =	ssub.s32 @!p0 $0x0, s1;
	[sflag:s0] =	ssyncset.done @!p0 $0x0  }
0xf9: {  	[sflag:s0] =	ssyncadd.s32 @!p0 s1  }
0xfa: {  	[bflag:$0x3] =	sbarrier.arrive $0xFFFF  }
0xfb: {  	_ =	shalt  }

</sc_bundles>
